<compile_context>
chip_gen: v7x
topology: tpu7x:2x2x1
jax: 0.10.2.dev20260603
libtpu: 0.0.44.dev20260713+nightly
codegen_flags: <defaults>
</compile_context>

<pallas_src>
import jax
import jax.numpy as jnp
from jax import lax
from jax.experimental import pallas as pl
from jax.experimental.pallas import tpu as pltpu
from jax.experimental.pallas import tpu_sc as plsc

_TILE = 4096


def _tc_body(x_ref, wlab_ref, blab_ref, wenc_ref, benc_ref, wc_ref, bc_ref,
             g_ref, routed_ref, idx_ref):
    i = pl.program_id(0)
    x = x_ref[...]
    lab = jnp.dot(x, wlab_ref[...], preferred_element_type=jnp.float32)
    lab = lab + blab_ref[...]
    y = jnp.argmax(lab, axis=-1).astype(jnp.int32)
    z = jnp.dot(x, wenc_ref[...], preferred_element_type=jnp.float32)
    z = z + benc_ref[...]
    logits = jnp.dot(z, wc_ref[...], preferred_element_type=jnp.float32)
    logits = logits + bc_ref[...]
    expert_of_col = jax.lax.broadcasted_iota(jnp.int32, logits.shape, 1) // 16
    masked = jnp.where(expert_of_col == y[:, None], logits, 0.0)
    routed_ref[...] = jnp.dot(masked, g_ref[...],
                              preferred_element_type=jnp.float32)
    n = i * _TILE + jax.lax.broadcasted_iota(jnp.int32, (logits.shape[0], 1), 0)
    idx_ref[...] = n * 8 + y[:, None]


def _tc_stage(x, W_lab, b_lab, W_enc, b_enc, Wc, bc, G):
    N, D = x.shape
    grid = (N // _TILE,)
    return pl.pallas_call(
        _tc_body,
        grid=grid,
        in_specs=[
            pl.BlockSpec((_TILE, D), lambda i: (i, 0)),
            pl.BlockSpec((D, 8), lambda i: (0, 0)),
            pl.BlockSpec((1, 8), lambda i: (0, 0)),
            pl.BlockSpec((D, 128), lambda i: (0, 0)),
            pl.BlockSpec((1, 128), lambda i: (0, 0)),
            pl.BlockSpec((128, 128), lambda i: (0, 0)),
            pl.BlockSpec((1, 128), lambda i: (0, 0)),
            pl.BlockSpec((128, 16), lambda i: (0, 0)),
        ],
        out_specs=[
            pl.BlockSpec((_TILE, 16), lambda i: (i, 0)),
            pl.BlockSpec((_TILE, 1), lambda i: (i, 0)),
        ],
        out_shape=[
            jax.ShapeDtypeStruct((N, 16), jnp.float32),
            jax.ShapeDtypeStruct((N, 1), jnp.int32),
        ],
    )(x, W_lab, b_lab[None, :], W_enc, b_enc[None, :], Wc, bc, G)


def _sc_stage(routed, idx2, zeros_hbm, N):
    info = plsc.get_sparse_core_info()
    NC, NS = info.num_cores, info.num_subcores
    NW = NC * NS
    chunk = N // NW
    rows_w = chunk * 8
    zrows = zeros_hbm.shape[0]
    idx_rows = chunk // 128
    mesh = plsc.VectorSubcoreMesh(core_axis_name="c", subcore_axis_name="s")

    def body(routed_hbm, idx_hbm, z_hbm, out_hbm, idx_v, routed_v, zeros_v,
             sem):
        wid = lax.axis_index("s") * NC + lax.axis_index("c")
        tok0 = wid * chunk
        row0 = wid * rows_w
        pltpu.sync_copy(idx_hbm.at[pl.ds(wid * idx_rows, idx_rows)], idx_v)
        pltpu.sync_copy(routed_hbm.at[pl.ds(tok0, chunk)], routed_v)
        pltpu.sync_copy(z_hbm, zeros_v)
        zfills = [
            pltpu.async_copy(zeros_v,
                             out_hbm.at[pl.ds(row0 + k * zrows, zrows)], sem)
            for k in range(rows_w // zrows)
        ]
        for d in zfills:
            d.wait()
        scats = [
            pltpu.async_copy(routed_v.at[pl.ds(j * 128, 128)],
                             out_hbm.at[idx_v.at[j]], sem)
            for j in range(idx_rows)
        ]
        for d in scats:
            d.wait()

    return pl.kernel(
        body,
        out_type=jax.ShapeDtypeStruct((N * 8, 16), jnp.float32),
        mesh=mesh,
        scratch_types=[
            pltpu.VMEM((idx_rows, 128), jnp.int32),
            pltpu.VMEM((chunk, 16), jnp.float32),
            pltpu.VMEM((zeros_hbm.shape[0], 16), jnp.float32),
            pltpu.SemaphoreType.DMA,
        ],
        compiler_params=pltpu.CompilerParams(use_tc_tiling_on_sc=False),
    )(routed, idx2, zeros_hbm)


def kernel(x, W_lab, b_lab, W_enc, b_enc, W_clf, b_clf):
    N, D = x.shape
    E, H, S = W_clf.shape
    Wc = jnp.transpose(W_clf, (1, 0, 2)).reshape(H, E * S)
    bc = b_clf.reshape(1, E * S)
    cols = jnp.arange(E * S, dtype=jnp.int32)
    G = (cols[:, None] % S == jnp.arange(S, dtype=jnp.int32)[None, :])
    G = G.astype(jnp.float32)
    routed, idx = _tc_stage(x, W_lab, b_lab, W_enc, b_enc, Wc, bc, G)
    idx2 = idx.reshape(N // 128, 128)
    zeros_hbm = jnp.zeros((2048, S), jnp.float32)
    out2 = _sc_stage(routed, idx2, zeros_hbm, N)
    return out2.reshape(N, E * S)

# --- scband reference (transcript-rebuilt; emitter-appended) ---
"""Pipeline reference for scband-multi-head-model-11278584119317 (READ-ONLY COPY).

The authoritative reference and input builder live on the scoring server;
editing this copy changes nothing except your own understanding.
"""

import jax, jax.numpy as jnp
import numpy as np

N = 32768
D_MODEL = 768
D_HID = 128
E = 8
S = 16

def setup_inputs(seed: int = 0) -> dict:
    key = jax.random.key(seed)
    ks = jax.random.split(key, 6)
    x = jax.random.normal(ks[0], (N, D_MODEL), dtype=jnp.float32)
    W_lab = jax.random.normal(ks[1], (D_MODEL, E), dtype=jnp.float32) * 0.02
    b_lab = jnp.zeros((E,), dtype=jnp.float32)
    W_enc = jax.random.normal(ks[2], (D_MODEL, D_HID), dtype=jnp.float32) * 0.02
    b_enc = jnp.zeros((D_HID,), dtype=jnp.float32)
    W_clf = jax.random.normal(ks[3], (E, D_HID, S), dtype=jnp.float32) * 0.02
    b_clf = jnp.zeros((E, S), dtype=jnp.float32)
    return {"x": x, "W_lab": W_lab, "b_lab": b_lab, "W_enc": W_enc, "b_enc": b_enc, "W_clf": W_clf, "b_clf": b_clf}

def reference(x, W_lab, b_lab, W_enc, b_enc, W_clf, b_clf):
    # labeler routes each token to one of E heads (hard top-1, done under no_grad in torch)
    y = jnp.argmax(x @ W_lab + b_lab, axis=-1)  # [N] int
    # encoder is the same module for every subset, so dense encode == per-subset encode
    z = x @ W_enc + b_enc  # [N, D_HID]
    # per-expert classifier logits for all tokens, then mask to the routed expert slot.
    # outputs[mask, i, :] = classifiers[i](z_i) is equivalent to logits * one_hot(y)
    logits = jnp.einsum('nd,eds->nes', z, W_clf) + b_clf[None, :, :]  # [N, E, S]
    mask = jax.nn.one_hot(y, E, dtype=x.dtype)  # [N, E]
    outputs = logits * mask[:, :, None]  # zeros everywhere except routed expert row
    return outputs.reshape(x.shape[0], -1)  # [N, E*S]

if __name__ == "__main__":
    import jax
    _d = setup_inputs()
    print(jax.jit(kernel)(*tuple(_d.values())))

</pallas_src>

<mosaic_0001>
#map = affine_map<(d0, d1) -> (0, 0)>
module attributes {stable_mosaic.version = 14 : i64} {
  func.func @body(%arg0: i32, %arg1: i32, %arg2: memref<32768x16xf32, #tpu.memory_space<hbm>>, %arg3: memref<256x128xi32, #tpu.memory_space<hbm>>, %arg4: memref<2048x16xf32, #tpu.memory_space<hbm>>, %arg5: memref<262144x16xf32, #tpu.memory_space<hbm>>, %arg6: memref<8x128xi32, #tpu.memory_space<vmem>>, %arg7: memref<1024x16xf32, #tpu.memory_space<vmem>>, %arg8: memref<2048x16xf32, #tpu.memory_space<vmem>>, %arg9: memref<!tpu.dma_semaphore, #tpu.memory_space<semaphore_mem>>) attributes {dimension_semantics = [#tpu.dimension_semantics<core_parallel>, #tpu.dimension_semantics<subcore_parallel>], iteration_bounds = array<i64: 2, 16>, scalar_prefetch = 0 : i64, scratch_operands = 4 : i64, tpu.core_type = #tpu.core_type<sc_vector_subcore>, window_params = [{transform_indices = #map}, {transform_indices = #map}, {transform_indices = #map}, {transform_indices = #map}]} {
    %mul3A = arith.constant 2 : i32
    %mul3A_0 = arith.muli %arg1, %mul3A : i32
    %add3A = arith.addi %mul3A_0, %arg0 : i32
    %mul3A_1 = arith.constant 1024 : i32
    %mul3A_2 = arith.muli %add3A, %mul3A_1 : i32
    %mul3A_3 = arith.constant 8192 : i32
    %mul3A_4 = arith.muli %add3A, %mul3A_3 : i32
    %mul3A_5 = arith.constant 8 : i32
    %mul3A_6 = arith.muli %add3A, %mul3A_5 : i32
    "tpu.region"() ({
      %run_scoped3A = tpu.sem_alloc : memref<!tpu.dma_semaphore, #tpu.memory_space<semaphore_mem>>
      %dma_start3A_205 = arith.constant 0 : i32
      %dma_start3A_206 = tpu.memref_slice %arg3[%mul3A_6, %dma_start3A_205] : memref<256x128xi32, #tpu.memory_space<hbm>> -> memref<8x128xi32, #tpu.memory_space<hbm>>
      %dma_start3A_207 = arith.constant 0 : i32
      %dma_start3A_208 = tpu.memref_slice %arg3[%mul3A_6, %dma_start3A_207] : memref<256x128xi32, #tpu.memory_space<hbm>> -> memref<8x128xi32, #tpu.memory_space<hbm>>
      tpu.enqueue_dma source(%dma_start3A_208 : memref<8x128xi32, #tpu.memory_space<hbm>>) target(%arg6 : memref<8x128xi32, #tpu.memory_space<vmem>>) target_semaphore(%run_scoped3A : memref<!tpu.dma_semaphore, #tpu.memory_space<semaphore_mem>>)
      %dma_wait3A_209 = arith.constant 0 : i32
      %dma_wait3A_210 = tpu.memref_slice %arg3[%mul3A_6, %dma_wait3A_209] : memref<256x128xi32, #tpu.memory_space<hbm>> -> memref<8x128xi32, #tpu.memory_space<hbm>>
      %dma_wait3A_211 = arith.constant 0 : i32
      %dma_wait3A_212 = tpu.memref_slice %arg3[%mul3A_6, %dma_wait3A_211] : memref<256x128xi32, #tpu.memory_space<hbm>> -> memref<8x128xi32, #tpu.memory_space<hbm>>
      tpu.wait_dma2 semaphore(%run_scoped3A : memref<!tpu.dma_semaphore, #tpu.memory_space<semaphore_mem>>) src(%dma_wait3A_212 : memref<8x128xi32, #tpu.memory_space<hbm>>) dst(%arg6 : memref<8x128xi32, #tpu.memory_space<vmem>>)
      tpu.yield
    }) : () -> ()
    "tpu.region"() ({
      %run_scoped3A = tpu.sem_alloc : memref<!tpu.dma_semaphore, #tpu.memory_space<semaphore_mem>>
      %dma_start3A_205 = arith.constant 0 : i32
      %dma_start3A_206 = tpu.memref_slice %arg2[%mul3A_2, %dma_start3A_205] : memref<32768x16xf32, #tpu.memory_space<hbm>> -> memref<1024x16xf32, #tpu.memory_space<hbm>>
      %dma_start3A_207 = arith.constant 0 : i32
      %dma_start3A_208 = tpu.memref_slice %arg2[%mul3A_2, %dma_start3A_207] : memref<32768x16xf32, #tpu.memory_space<hbm>> -> memref<1024x16xf32, #tpu.memory_space<hbm>>
      tpu.enqueue_dma source(%dma_start3A_208 : memref<1024x16xf32, #tpu.memory_space<hbm>>) target(%arg7 : memref<1024x16xf32, #tpu.memory_space<vmem>>) target_semaphore(%run_scoped3A : memref<!tpu.dma_semaphore, #tpu.memory_space<semaphore_mem>>)
      %dma_wait3A_209 = arith.constant 0 : i32
      %dma_wait3A_210 = tpu.memref_slice %arg2[%mul3A_2, %dma_wait3A_209] : memref<32768x16xf32, #tpu.memory_space<hbm>> -> memref<1024x16xf32, #tpu.memory_space<hbm>>
      %dma_wait3A_211 = arith.constant 0 : i32
      %dma_wait3A_212 = tpu.memref_slice %arg2[%mul3A_2, %dma_wait3A_211] : memref<32768x16xf32, #tpu.memory_space<hbm>> -> memref<1024x16xf32, #tpu.memory_space<hbm>>
      tpu.wait_dma2 semaphore(%run_scoped3A : memref<!tpu.dma_semaphore, #tpu.memory_space<semaphore_mem>>) src(%dma_wait3A_212 : memref<1024x16xf32, #tpu.memory_space<hbm>>) dst(%arg7 : memref<1024x16xf32, #tpu.memory_space<vmem>>)
      tpu.yield
    }) : () -> ()
    "tpu.region"() ({
      %run_scoped3A = tpu.sem_alloc : memref<!tpu.dma_semaphore, #tpu.memory_space<semaphore_mem>>
      tpu.enqueue_dma source(%arg4 : memref<2048x16xf32, #tpu.memory_space<hbm>>) target(%arg8 : memref<2048x16xf32, #tpu.memory_space<vmem>>) target_semaphore(%run_scoped3A : memref<!tpu.dma_semaphore, #tpu.memory_space<semaphore_mem>>)
      tpu.wait_dma2 semaphore(%run_scoped3A : memref<!tpu.dma_semaphore, #tpu.memory_space<semaphore_mem>>) src(%arg4 : memref<2048x16xf32, #tpu.memory_space<hbm>>) dst(%arg8 : memref<2048x16xf32, #tpu.memory_space<vmem>>)
      tpu.yield
    }) : () -> ()
    %add3A_7 = arith.constant 0 : i32
    %add3A_8 = arith.addi %mul3A_4, %add3A_7 : i32
    %dma_start3A = arith.constant 0 : i32
    %dma_start3A_9 = tpu.memref_slice %arg5[%add3A_8, %dma_start3A] : memref<262144x16xf32, #tpu.memory_space<hbm>> -> memref<2048x16xf32, #tpu.memory_space<hbm>>
    %dma_start3A_10 = arith.constant 0 : i32
    %dma_start3A_11 = tpu.memref_slice %arg5[%add3A_8, %dma_start3A_10] : memref<262144x16xf32, #tpu.memory_space<hbm>> -> memref<2048x16xf32, #tpu.memory_space<hbm>>
    tpu.enqueue_dma source(%arg8 : memref<2048x16xf32, #tpu.memory_space<vmem>>) target(%dma_start3A_11 : memref<2048x16xf32, #tpu.memory_space<hbm>>) target_semaphore(%arg9 : memref<!tpu.dma_semaphore, #tpu.memory_space<semaphore_mem>>)
    %add3A_12 = arith.constant 2048 : i32
    %add3A_13 = arith.addi %mul3A_4, %add3A_12 : i32
    %dma_start3A_14 = arith.constant 0 : i32
    %dma_start3A_15 = tpu.memref_slice %arg5[%add3A_13, %dma_start3A_14] : memref<262144x16xf32, #tpu.memory_space<hbm>> -> memref<2048x16xf32, #tpu.memory_space<hbm>>
    %dma_start3A_16 = arith.constant 0 : i32
    %dma_start3A_17 = tpu.memref_slice %arg5[%add3A_13, %dma_start3A_16] : memref<262144x16xf32, #tpu.memory_space<hbm>> -> memref<2048x16xf32, #tpu.memory_space<hbm>>
    tpu.enqueue_dma source(%arg8 : memref<2048x16xf32, #tpu.memory_space<vmem>>) target(%dma_start3A_17 : memref<2048x16xf32, #tpu.memory_space<hbm>>) target_semaphore(%arg9 : memref<!tpu.dma_semaphore, #tpu.memory_space<semaphore_mem>>)
    %add3A_18 = arith.constant 4096 : i32
    %add3A_19 = arith.addi %mul3A_4, %add3A_18 : i32
    %dma_start3A_20 = arith.constant 0 : i32
    %dma_start3A_21 = tpu.memref_slice %arg5[%add3A_19, %dma_start3A_20] : memref<262144x16xf32, #tpu.memory_space<hbm>> -> memref<2048x16xf32, #tpu.memory_space<hbm>>
    %dma_start3A_22 = arith.constant 0 : i32
    %dma_start3A_23 = tpu.memref_slice %arg5[%add3A_19, %dma_start3A_22] : memref<262144x16xf32, #tpu.memory_space<hbm>> -> memref<2048x16xf32, #tpu.memory_space<hbm>>
    tpu.enqueue_dma source(%arg8 : memref<2048x16xf32, #tpu.memory_space<vmem>>) target(%dma_start3A_23 : memref<2048x16xf32, #tpu.memory_space<hbm>>) target_semaphore(%arg9 : memref<!tpu.dma_semaphore, #tpu.memory_space<semaphore_mem>>)
    %add3A_24 = arith.constant 6144 : i32
    %add3A_25 = arith.addi %mul3A_4, %add3A_24 : i32
    %dma_start3A_26 = arith.constant 0 : i32
    %dma_start3A_27 = tpu.memref_slice %arg5[%add3A_25, %dma_start3A_26] : memref<262144x16xf32, #tpu.memory_space<hbm>> -> memref<2048x16xf32, #tpu.memory_space<hbm>>
    %dma_start3A_28 = arith.constant 0 : i32
    %dma_start3A_29 = tpu.memref_slice %arg5[%add3A_25, %dma_start3A_28] : memref<262144x16xf32, #tpu.memory_space<hbm>> -> memref<2048x16xf32, #tpu.memory_space<hbm>>
    tpu.enqueue_dma source(%arg8 : memref<2048x16xf32, #tpu.memory_space<vmem>>) target(%dma_start3A_29 : memref<2048x16xf32, #tpu.memory_space<hbm>>) target_semaphore(%arg9 : memref<!tpu.dma_semaphore, #tpu.memory_space<semaphore_mem>>)
    %dma_wait3A = arith.constant 0 : i32
    %dma_wait3A_30 = tpu.memref_slice %arg5[%add3A_8, %dma_wait3A] : memref<262144x16xf32, #tpu.memory_space<hbm>> -> memref<2048x16xf32, #tpu.memory_space<hbm>>
    %dma_wait3A_31 = arith.constant 0 : i32
    %dma_wait3A_32 = tpu.memref_slice %arg5[%add3A_8, %dma_wait3A_31] : memref<262144x16xf32, #tpu.memory_space<hbm>> -> memref<2048x16xf32, #tpu.memory_space<hbm>>
    tpu.wait_dma2 semaphore(%arg9 : memref<!tpu.dma_semaphore, #tpu.memory_space<semaphore_mem>>) src(%arg8 : memref<2048x16xf32, #tpu.memory_space<vmem>>) dst(%dma_wait3A_32 : memref<2048x16xf32, #tpu.memory_space<hbm>>)
    %dma_wait3A_33 = arith.constant 0 : i32
    %dma_wait3A_34 = tpu.memref_slice %arg5[%add3A_13, %dma_wait3A_33] : memref<262144x16xf32, #tpu.memory_space<hbm>> -> memref<2048x16xf32, #tpu.memory_space<hbm>>
    %dma_wait3A_35 = arith.constant 0 : i32
    %dma_wait3A_36 = tpu.memref_slice %arg5[%add3A_13, %dma_wait3A_35] : memref<262144x16xf32, #tpu.memory_space<hbm>> -> memref<2048x16xf32, #tpu.memory_space<hbm>>
    tpu.wait_dma2 semaphore(%arg9 : memref<!tpu.dma_semaphore, #tpu.memory_space<semaphore_mem>>) src(%arg8 : memref<2048x16xf32, #tpu.memory_space<vmem>>) dst(%dma_wait3A_36 : memref<2048x16xf32, #tpu.memory_space<hbm>>)
    %dma_wait3A_37 = arith.constant 0 : i32
    %dma_wait3A_38 = tpu.memref_slice %arg5[%add3A_19, %dma_wait3A_37] : memref<262144x16xf32, #tpu.memory_space<hbm>> -> memref<2048x16xf32, #tpu.memory_space<hbm>>
    %dma_wait3A_39 = arith.constant 0 : i32
    %dma_wait3A_40 = tpu.memref_slice %arg5[%add3A_19, %dma_wait3A_39] : memref<262144x16xf32, #tpu.memory_space<hbm>> -> memref<2048x16xf32, #tpu.memory_space<hbm>>
    tpu.wait_dma2 semaphore(%arg9 : memref<!tpu.dma_semaphore, #tpu.memory_space<semaphore_mem>>) src(%arg8 : memref<2048x16xf32, #tpu.memory_space<vmem>>) dst(%dma_wait3A_40 : memref<2048x16xf32, #tpu.memory_space<hbm>>)
    %dma_wait3A_41 = arith.constant 0 : i32
    %dma_wait3A_42 = tpu.memref_slice %arg5[%add3A_25, %dma_wait3A_41] : memref<262144x16xf32, #tpu.memory_space<hbm>> -> memref<2048x16xf32, #tpu.memory_space<hbm>>
    %dma_wait3A_43 = arith.constant 0 : i32
    %dma_wait3A_44 = tpu.memref_slice %arg5[%add3A_25, %dma_wait3A_43] : memref<262144x16xf32, #tpu.memory_space<hbm>> -> memref<2048x16xf32, #tpu.memory_space<hbm>>
    tpu.wait_dma2 semaphore(%arg9 : memref<!tpu.dma_semaphore, #tpu.memory_space<semaphore_mem>>) src(%arg8 : memref<2048x16xf32, #tpu.memory_space<vmem>>) dst(%dma_wait3A_44 : memref<2048x16xf32, #tpu.memory_space<hbm>>)
    %dma_start3A_45 = arith.constant 0 : i32
    %dma_start3A_46 = arith.constant 0 : i32
    %dma_start3A_47 = arith.constant 0 : i32
    %dma_start3A_48 = tpu.memref_slice %arg7[%dma_start3A_46, %dma_start3A_47] : memref<1024x16xf32, #tpu.memory_space<vmem>> -> memref<128x16xf32, #tpu.memory_space<vmem>>
    %dma_start3A_49 = arith.constant 0 : i32
    %dma_start3A_50 = tpu.memref_slice %arg6[%dma_start3A_45, %dma_start3A_49] : memref<8x128xi32, #tpu.memory_space<vmem>> -> memref<1x128xi32, #tpu.memory_space<vmem>>
    %dma_start3A_51 = tpu.memref_squeeze %dma_start3A_50 : memref<1x128xi32, #tpu.memory_space<vmem>> -> memref<128xi32, #tpu.memory_space<vmem>>
    %dma_start3A_52 = arith.constant 0 : i32
    %dma_start3A_53 = arith.constant 0 : i32
    %dma_start3A_54 = tpu.memref_slice %arg5[%dma_start3A_52, %dma_start3A_53] : memref<262144x16xf32, #tpu.memory_space<hbm>> -> memref<262144x16xf32, #tpu.memory_space<hbm>>
    tpu.enqueue_indirect_dma source(%dma_start3A_48 : memref<128x16xf32, #tpu.memory_space<vmem>>) target(%dma_start3A_54 : memref<262144x16xf32, #tpu.memory_space<hbm>>) offsets(%dma_start3A_51 : memref<128xi32, #tpu.memory_space<vmem>>) semaphore(%arg9 : memref<!tpu.dma_semaphore, #tpu.memory_space<semaphore_mem>>)
    %dma_start3A_55 = arith.constant 1 : i32
    %dma_start3A_56 = arith.constant 128 : i32
    %dma_start3A_57 = arith.constant 0 : i32
    %dma_start3A_58 = tpu.memref_slice %arg7[%dma_start3A_56, %dma_start3A_57] : memref<1024x16xf32, #tpu.memory_space<vmem>> -> memref<128x16xf32, #tpu.memory_space<vmem>>
    %dma_start3A_59 = arith.constant 0 : i32
    %dma_start3A_60 = tpu.memref_slice %arg6[%dma_start3A_55, %dma_start3A_59] : memref<8x128xi32, #tpu.memory_space<vmem>> -> memref<1x128xi32, #tpu.memory_space<vmem>>
    %dma_start3A_61 = tpu.memref_squeeze %dma_start3A_60 : memref<1x128xi32, #tpu.memory_space<vmem>> -> memref<128xi32, #tpu.memory_space<vmem>>
    %dma_start3A_62 = arith.constant 0 : i32
    %dma_start3A_63 = arith.constant 0 : i32
    %dma_start3A_64 = tpu.memref_slice %arg5[%dma_start3A_62, %dma_start3A_63] : memref<262144x16xf32, #tpu.memory_space<hbm>> -> memref<262144x16xf32, #tpu.memory_space<hbm>>
    tpu.enqueue_indirect_dma source(%dma_start3A_58 : memref<128x16xf32, #tpu.memory_space<vmem>>) target(%dma_start3A_64 : memref<262144x16xf32, #tpu.memory_space<hbm>>) offsets(%dma_start3A_61 : memref<128xi32, #tpu.memory_space<vmem>>) semaphore(%arg9 : memref<!tpu.dma_semaphore, #tpu.memory_space<semaphore_mem>>)
    %dma_start3A_65 = arith.constant 2 : i32
    %dma_start3A_66 = arith.constant 256 : i32
    %dma_start3A_67 = arith.constant 0 : i32
    %dma_start3A_68 = tpu.memref_slice %arg7[%dma_start3A_66, %dma_start3A_67] : memref<1024x16xf32, #tpu.memory_space<vmem>> -> memref<128x16xf32, #tpu.memory_space<vmem>>
    %dma_start3A_69 = arith.constant 0 : i32
    %dma_start3A_70 = tpu.memref_slice %arg6[%dma_start3A_65, %dma_start3A_69] : memref<8x128xi32, #tpu.memory_space<vmem>> -> memref<1x128xi32, #tpu.memory_space<vmem>>
    %dma_start3A_71 = tpu.memref_squeeze %dma_start3A_70 : memref<1x128xi32, #tpu.memory_space<vmem>> -> memref<128xi32, #tpu.memory_space<vmem>>
    %dma_start3A_72 = arith.constant 0 : i32
    %dma_start3A_73 = arith.constant 0 : i32
    %dma_start3A_74 = tpu.memref_slice %arg5[%dma_start3A_72, %dma_start3A_73] : memref<262144x16xf32, #tpu.memory_space<hbm>> -> memref<262144x16xf32, #tpu.memory_space<hbm>>
    tpu.enqueue_indirect_dma source(%dma_start3A_68 : memref<128x16xf32, #tpu.memory_space<vmem>>) target(%dma_start3A_74 : memref<262144x16xf32, #tpu.memory_space<hbm>>) offsets(%dma_start3A_71 : memref<128xi32, #tpu.memory_space<vmem>>) semaphore(%arg9 : memref<!tpu.dma_semaphore, #tpu.memory_space<semaphore_mem>>)
    %dma_start3A_75 = arith.constant 3 : i32
    %dma_start3A_76 = arith.constant 384 : i32
    %dma_start3A_77 = arith.constant 0 : i32
    %dma_start3A_78 = tpu.memref_slice %arg7[%dma_start3A_76, %dma_start3A_77] : memref<1024x16xf32, #tpu.memory_space<vmem>> -> memref<128x16xf32, #tpu.memory_space<vmem>>
    %dma_start3A_79 = arith.constant 0 : i32
    %dma_start3A_80 = tpu.memref_slice %arg6[%dma_start3A_75, %dma_start3A_79] : memref<8x128xi32, #tpu.memory_space<vmem>> -> memref<1x128xi32, #tpu.memory_space<vmem>>
    %dma_start3A_81 = tpu.memref_squeeze %dma_start3A_80 : memref<1x128xi32, #tpu.memory_space<vmem>> -> memref<128xi32, #tpu.memory_space<vmem>>
    %dma_start3A_82 = arith.constant 0 : i32
    %dma_start3A_83 = arith.constant 0 : i32
    %dma_start3A_84 = tpu.memref_slice %arg5[%dma_start3A_82, %dma_start3A_83] : memref<262144x16xf32, #tpu.memory_space<hbm>> -> memref<262144x16xf32, #tpu.memory_space<hbm>>
    tpu.enqueue_indirect_dma source(%dma_start3A_78 : memref<128x16xf32, #tpu.memory_space<vmem>>) target(%dma_start3A_84 : memref<262144x16xf32, #tpu.memory_space<hbm>>) offsets(%dma_start3A_81 : memref<128xi32, #tpu.memory_space<vmem>>) semaphore(%arg9 : memref<!tpu.dma_semaphore, #tpu.memory_space<semaphore_mem>>)
    %dma_start3A_85 = arith.constant 4 : i32
    %dma_start3A_86 = arith.constant 512 : i32
    %dma_start3A_87 = arith.constant 0 : i32
    %dma_start3A_88 = tpu.memref_slice %arg7[%dma_start3A_86, %dma_start3A_87] : memref<1024x16xf32, #tpu.memory_space<vmem>> -> memref<128x16xf32, #tpu.memory_space<vmem>>
    %dma_start3A_89 = arith.constant 0 : i32
    %dma_start3A_90 = tpu.memref_slice %arg6[%dma_start3A_85, %dma_start3A_89] : memref<8x128xi32, #tpu.memory_space<vmem>> -> memref<1x128xi32, #tpu.memory_space<vmem>>
    %dma_start3A_91 = tpu.memref_squeeze %dma_start3A_90 : memref<1x128xi32, #tpu.memory_space<vmem>> -> memref<128xi32, #tpu.memory_space<vmem>>
    %dma_start3A_92 = arith.constant 0 : i32
    %dma_start3A_93 = arith.constant 0 : i32
    %dma_start3A_94 = tpu.memref_slice %arg5[%dma_start3A_92, %dma_start3A_93] : memref<262144x16xf32, #tpu.memory_space<hbm>> -> memref<262144x16xf32, #tpu.memory_space<hbm>>
    tpu.enqueue_indirect_dma source(%dma_start3A_88 : memref<128x16xf32, #tpu.memory_space<vmem>>) target(%dma_start3A_94 : memref<262144x16xf32, #tpu.memory_space<hbm>>) offsets(%dma_start3A_91 : memref<128xi32, #tpu.memory_space<vmem>>) semaphore(%arg9 : memref<!tpu.dma_semaphore, #tpu.memory_space<semaphore_mem>>)
    %dma_start3A_95 = arith.constant 5 : i32
    %dma_start3A_96 = arith.constant 640 : i32
    %dma_start3A_97 = arith.constant 0 : i32
    %dma_start3A_98 = tpu.memref_slice %arg7[%dma_start3A_96, %dma_start3A_97] : memref<1024x16xf32, #tpu.memory_space<vmem>> -> memref<128x16xf32, #tpu.memory_space<vmem>>
    %dma_start3A_99 = arith.constant 0 : i32
    %dma_start3A_100 = tpu.memref_slice %arg6[%dma_start3A_95, %dma_start3A_99] : memref<8x128xi32, #tpu.memory_space<vmem>> -> memref<1x128xi32, #tpu.memory_space<vmem>>
    %dma_start3A_101 = tpu.memref_squeeze %dma_start3A_100 : memref<1x128xi32, #tpu.memory_space<vmem>> -> memref<128xi32, #tpu.memory_space<vmem>>
    %dma_start3A_102 = arith.constant 0 : i32
    %dma_start3A_103 = arith.constant 0 : i32
    %dma_start3A_104 = tpu.memref_slice %arg5[%dma_start3A_102, %dma_start3A_103] : memref<262144x16xf32, #tpu.memory_space<hbm>> -> memref<262144x16xf32, #tpu.memory_space<hbm>>
    tpu.enqueue_indirect_dma source(%dma_start3A_98 : memref<128x16xf32, #tpu.memory_space<vmem>>) target(%dma_start3A_104 : memref<262144x16xf32, #tpu.memory_space<hbm>>) offsets(%dma_start3A_101 : memref<128xi32, #tpu.memory_space<vmem>>) semaphore(%arg9 : memref<!tpu.dma_semaphore, #tpu.memory_space<semaphore_mem>>)
    %dma_start3A_105 = arith.constant 6 : i32
    %dma_start3A_106 = arith.constant 768 : i32
    %dma_start3A_107 = arith.constant 0 : i32
    %dma_start3A_108 = tpu.memref_slice %arg7[%dma_start3A_106, %dma_start3A_107] : memref<1024x16xf32, #tpu.memory_space<vmem>> -> memref<128x16xf32, #tpu.memory_space<vmem>>
    %dma_start3A_109 = arith.constant 0 : i32
    %dma_start3A_110 = tpu.memref_slice %arg6[%dma_start3A_105, %dma_start3A_109] : memref<8x128xi32, #tpu.memory_space<vmem>> -> memref<1x128xi32, #tpu.memory_space<vmem>>
    %dma_start3A_111 = tpu.memref_squeeze %dma_start3A_110 : memref<1x128xi32, #tpu.memory_space<vmem>> -> memref<128xi32, #tpu.memory_space<vmem>>
    %dma_start3A_112 = arith.constant 0 : i32
    %dma_start3A_113 = arith.constant 0 : i32
    %dma_start3A_114 = tpu.memref_slice %arg5[%dma_start3A_112, %dma_start3A_113] : memref<262144x16xf32, #tpu.memory_space<hbm>> -> memref<262144x16xf32, #tpu.memory_space<hbm>>
    tpu.enqueue_indirect_dma source(%dma_start3A_108 : memref<128x16xf32, #tpu.memory_space<vmem>>) target(%dma_start3A_114 : memref<262144x16xf32, #tpu.memory_space<hbm>>) offsets(%dma_start3A_111 : memref<128xi32, #tpu.memory_space<vmem>>) semaphore(%arg9 : memref<!tpu.dma_semaphore, #tpu.memory_space<semaphore_mem>>)
    %dma_start3A_115 = arith.constant 7 : i32
    %dma_start3A_116 = arith.constant 896 : i32
    %dma_start3A_117 = arith.constant 0 : i32
    %dma_start3A_118 = tpu.memref_slice %arg7[%dma_start3A_116, %dma_start3A_117] : memref<1024x16xf32, #tpu.memory_space<vmem>> -> memref<128x16xf32, #tpu.memory_space<vmem>>
    %dma_start3A_119 = arith.constant 0 : i32
    %dma_start3A_120 = tpu.memref_slice %arg6[%dma_start3A_115, %dma_start3A_119] : memref<8x128xi32, #tpu.memory_space<vmem>> -> memref<1x128xi32, #tpu.memory_space<vmem>>
    %dma_start3A_121 = tpu.memref_squeeze %dma_start3A_120 : memref<1x128xi32, #tpu.memory_space<vmem>> -> memref<128xi32, #tpu.memory_space<vmem>>
    %dma_start3A_122 = arith.constant 0 : i32
    %dma_start3A_123 = arith.constant 0 : i32
    %dma_start3A_124 = tpu.memref_slice %arg5[%dma_start3A_122, %dma_start3A_123] : memref<262144x16xf32, #tpu.memory_space<hbm>> -> memref<262144x16xf32, #tpu.memory_space<hbm>>
    tpu.enqueue_indirect_dma source(%dma_start3A_118 : memref<128x16xf32, #tpu.memory_space<vmem>>) target(%dma_start3A_124 : memref<262144x16xf32, #tpu.memory_space<hbm>>) offsets(%dma_start3A_121 : memref<128xi32, #tpu.memory_space<vmem>>) semaphore(%arg9 : memref<!tpu.dma_semaphore, #tpu.memory_space<semaphore_mem>>)
    %dma_wait3A_125 = arith.constant 0 : i32
    %dma_wait3A_126 = arith.constant 0 : i32
    %dma_wait3A_127 = arith.constant 0 : i32
    %dma_wait3A_128 = tpu.memref_slice %arg7[%dma_wait3A_126, %dma_wait3A_127] : memref<1024x16xf32, #tpu.memory_space<vmem>> -> memref<128x16xf32, #tpu.memory_space<vmem>>
    %dma_wait3A_129 = arith.constant 0 : i32
    %dma_wait3A_130 = tpu.memref_slice %arg6[%dma_wait3A_125, %dma_wait3A_129] : memref<8x128xi32, #tpu.memory_space<vmem>> -> memref<1x128xi32, #tpu.memory_space<vmem>>
    %dma_wait3A_131 = tpu.memref_squeeze %dma_wait3A_130 : memref<1x128xi32, #tpu.memory_space<vmem>> -> memref<128xi32, #tpu.memory_space<vmem>>
    %dma_wait3A_132 = arith.constant 0 : i32
    %dma_wait3A_133 = arith.constant 0 : i32
    %dma_wait3A_134 = tpu.memref_slice %arg5[%dma_wait3A_132, %dma_wait3A_133] : memref<262144x16xf32, #tpu.memory_space<hbm>> -> memref<262144x16xf32, #tpu.memory_space<hbm>>
    tpu.wait_indirect_dma semaphore(%arg9 : memref<!tpu.dma_semaphore, #tpu.memory_space<semaphore_mem>>) src(%dma_wait3A_128 : memref<128x16xf32, #tpu.memory_space<vmem>>) dst(%dma_wait3A_134 : memref<262144x16xf32, #tpu.memory_space<hbm>>)
    %dma_wait3A_135 = arith.constant 1 : i32
    %dma_wait3A_136 = arith.constant 128 : i32
    %dma_wait3A_137 = arith.constant 0 : i32
    %dma_wait3A_138 = tpu.memref_slice %arg7[%dma_wait3A_136, %dma_wait3A_137] : memref<1024x16xf32, #tpu.memory_space<vmem>> -> memref<128x16xf32, #tpu.memory_space<vmem>>
    %dma_wait3A_139 = arith.constant 0 : i32
    %dma_wait3A_140 = tpu.memref_slice %arg6[%dma_wait3A_135, %dma_wait3A_139] : memref<8x128xi32, #tpu.memory_space<vmem>> -> memref<1x128xi32, #tpu.memory_space<vmem>>
    %dma_wait3A_141 = tpu.memref_squeeze %dma_wait3A_140 : memref<1x128xi32, #tpu.memory_space<vmem>> -> memref<128xi32, #tpu.memory_space<vmem>>
    %dma_wait3A_142 = arith.constant 0 : i32
    %dma_wait3A_143 = arith.constant 0 : i32
    %dma_wait3A_144 = tpu.memref_slice %arg5[%dma_wait3A_142, %dma_wait3A_143] : memref<262144x16xf32, #tpu.memory_space<hbm>> -> memref<262144x16xf32, #tpu.memory_space<hbm>>
    tpu.wait_indirect_dma semaphore(%arg9 : memref<!tpu.dma_semaphore, #tpu.memory_space<semaphore_mem>>) src(%dma_wait3A_138 : memref<128x16xf32, #tpu.memory_space<vmem>>) dst(%dma_wait3A_144 : memref<262144x16xf32, #tpu.memory_space<hbm>>)
    %dma_wait3A_145 = arith.constant 2 : i32
    %dma_wait3A_146 = arith.constant 256 : i32
    %dma_wait3A_147 = arith.constant 0 : i32
    %dma_wait3A_148 = tpu.memref_slice %arg7[%dma_wait3A_146, %dma_wait3A_147] : memref<1024x16xf32, #tpu.memory_space<vmem>> -> memref<128x16xf32, #tpu.memory_space<vmem>>
    %dma_wait3A_149 = arith.constant 0 : i32
    %dma_wait3A_150 = tpu.memref_slice %arg6[%dma_wait3A_145, %dma_wait3A_149] : memref<8x128xi32, #tpu.memory_space<vmem>> -> memref<1x128xi32, #tpu.memory_space<vmem>>
    %dma_wait3A_151 = tpu.memref_squeeze %dma_wait3A_150 : memref<1x128xi32, #tpu.memory_space<vmem>> -> memref<128xi32, #tpu.memory_space<vmem>>
    %dma_wait3A_152 = arith.constant 0 : i32
    %dma_wait3A_153 = arith.constant 0 : i32
    %dma_wait3A_154 = tpu.memref_slice %arg5[%dma_wait3A_152, %dma_wait3A_153] : memref<262144x16xf32, #tpu.memory_space<hbm>> -> memref<262144x16xf32, #tpu.memory_space<hbm>>
    tpu.wait_indirect_dma semaphore(%arg9 : memref<!tpu.dma_semaphore, #tpu.memory_space<semaphore_mem>>) src(%dma_wait3A_148 : memref<128x16xf32, #tpu.memory_space<vmem>>) dst(%dma_wait3A_154 : memref<262144x16xf32, #tpu.memory_space<hbm>>)
    %dma_wait3A_155 = arith.constant 3 : i32
    %dma_wait3A_156 = arith.constant 384 : i32
    %dma_wait3A_157 = arith.constant 0 : i32
    %dma_wait3A_158 = tpu.memref_slice %arg7[%dma_wait3A_156, %dma_wait3A_157] : memref<1024x16xf32, #tpu.memory_space<vmem>> -> memref<128x16xf32, #tpu.memory_space<vmem>>
    %dma_wait3A_159 = arith.constant 0 : i32
    %dma_wait3A_160 = tpu.memref_slice %arg6[%dma_wait3A_155, %dma_wait3A_159] : memref<8x128xi32, #tpu.memory_space<vmem>> -> memref<1x128xi32, #tpu.memory_space<vmem>>
    %dma_wait3A_161 = tpu.memref_squeeze %dma_wait3A_160 : memref<1x128xi32, #tpu.memory_space<vmem>> -> memref<128xi32, #tpu.memory_space<vmem>>
    %dma_wait3A_162 = arith.constant 0 : i32
    %dma_wait3A_163 = arith.constant 0 : i32
    %dma_wait3A_164 = tpu.memref_slice %arg5[%dma_wait3A_162, %dma_wait3A_163] : memref<262144x16xf32, #tpu.memory_space<hbm>> -> memref<262144x16xf32, #tpu.memory_space<hbm>>
    tpu.wait_indirect_dma semaphore(%arg9 : memref<!tpu.dma_semaphore, #tpu.memory_space<semaphore_mem>>) src(%dma_wait3A_158 : memref<128x16xf32, #tpu.memory_space<vmem>>) dst(%dma_wait3A_164 : memref<262144x16xf32, #tpu.memory_space<hbm>>)
    %dma_wait3A_165 = arith.constant 4 : i32
    %dma_wait3A_166 = arith.constant 512 : i32
    %dma_wait3A_167 = arith.constant 0 : i32
    %dma_wait3A_168 = tpu.memref_slice %arg7[%dma_wait3A_166, %dma_wait3A_167] : memref<1024x16xf32, #tpu.memory_space<vmem>> -> memref<128x16xf32, #tpu.memory_space<vmem>>
    %dma_wait3A_169 = arith.constant 0 : i32
    %dma_wait3A_170 = tpu.memref_slice %arg6[%dma_wait3A_165, %dma_wait3A_169] : memref<8x128xi32, #tpu.memory_space<vmem>> -> memref<1x128xi32, #tpu.memory_space<vmem>>
    %dma_wait3A_171 = tpu.memref_squeeze %dma_wait3A_170 : memref<1x128xi32, #tpu.memory_space<vmem>> -> memref<128xi32, #tpu.memory_space<vmem>>
    %dma_wait3A_172 = arith.constant 0 : i32
    %dma_wait3A_173 = arith.constant 0 : i32
    %dma_wait3A_174 = tpu.memref_slice %arg5[%dma_wait3A_172, %dma_wait3A_173] : memref<262144x16xf32, #tpu.memory_space<hbm>> -> memref<262144x16xf32, #tpu.memory_space<hbm>>
    tpu.wait_indirect_dma semaphore(%arg9 : memref<!tpu.dma_semaphore, #tpu.memory_space<semaphore_mem>>) src(%dma_wait3A_168 : memref<128x16xf32, #tpu.memory_space<vmem>>) dst(%dma_wait3A_174 : memref<262144x16xf32, #tpu.memory_space<hbm>>)
    %dma_wait3A_175 = arith.constant 5 : i32
    %dma_wait3A_176 = arith.constant 640 : i32
    %dma_wait3A_177 = arith.constant 0 : i32
    %dma_wait3A_178 = tpu.memref_slice %arg7[%dma_wait3A_176, %dma_wait3A_177] : memref<1024x16xf32, #tpu.memory_space<vmem>> -> memref<128x16xf32, #tpu.memory_space<vmem>>
    %dma_wait3A_179 = arith.constant 0 : i32
    %dma_wait3A_180 = tpu.memref_slice %arg6[%dma_wait3A_175, %dma_wait3A_179] : memref<8x128xi32, #tpu.memory_space<vmem>> -> memref<1x128xi32, #tpu.memory_space<vmem>>
    %dma_wait3A_181 = tpu.memref_squeeze %dma_wait3A_180 : memref<1x128xi32, #tpu.memory_space<vmem>> -> memref<128xi32, #tpu.memory_space<vmem>>
    %dma_wait3A_182 = arith.constant 0 : i32
    %dma_wait3A_183 = arith.constant 0 : i32
    %dma_wait3A_184 = tpu.memref_slice %arg5[%dma_wait3A_182, %dma_wait3A_183] : memref<262144x16xf32, #tpu.memory_space<hbm>> -> memref<262144x16xf32, #tpu.memory_space<hbm>>
    tpu.wait_indirect_dma semaphore(%arg9 : memref<!tpu.dma_semaphore, #tpu.memory_space<semaphore_mem>>) src(%dma_wait3A_178 : memref<128x16xf32, #tpu.memory_space<vmem>>) dst(%dma_wait3A_184 : memref<262144x16xf32, #tpu.memory_space<hbm>>)
    %dma_wait3A_185 = arith.constant 6 : i32
    %dma_wait3A_186 = arith.constant 768 : i32
    %dma_wait3A_187 = arith.constant 0 : i32
    %dma_wait3A_188 = tpu.memref_slice %arg7[%dma_wait3A_186, %dma_wait3A_187] : memref<1024x16xf32, #tpu.memory_space<vmem>> -> memref<128x16xf32, #tpu.memory_space<vmem>>
    %dma_wait3A_189 = arith.constant 0 : i32
    %dma_wait3A_190 = tpu.memref_slice %arg6[%dma_wait3A_185, %dma_wait3A_189] : memref<8x128xi32, #tpu.memory_space<vmem>> -> memref<1x128xi32, #tpu.memory_space<vmem>>
    %dma_wait3A_191 = tpu.memref_squeeze %dma_wait3A_190 : memref<1x128xi32, #tpu.memory_space<vmem>> -> memref<128xi32, #tpu.memory_space<vmem>>
    %dma_wait3A_192 = arith.constant 0 : i32
    %dma_wait3A_193 = arith.constant 0 : i32
    %dma_wait3A_194 = tpu.memref_slice %arg5[%dma_wait3A_192, %dma_wait3A_193] : memref<262144x16xf32, #tpu.memory_space<hbm>> -> memref<262144x16xf32, #tpu.memory_space<hbm>>
    tpu.wait_indirect_dma semaphore(%arg9 : memref<!tpu.dma_semaphore, #tpu.memory_space<semaphore_mem>>) src(%dma_wait3A_188 : memref<128x16xf32, #tpu.memory_space<vmem>>) dst(%dma_wait3A_194 : memref<262144x16xf32, #tpu.memory_space<hbm>>)
    %dma_wait3A_195 = arith.constant 7 : i32
    %dma_wait3A_196 = arith.constant 896 : i32
    %dma_wait3A_197 = arith.constant 0 : i32
    %dma_wait3A_198 = tpu.memref_slice %arg7[%dma_wait3A_196, %dma_wait3A_197] : memref<1024x16xf32, #tpu.memory_space<vmem>> -> memref<128x16xf32, #tpu.memory_space<vmem>>
    %dma_wait3A_199 = arith.constant 0 : i32
    %dma_wait3A_200 = tpu.memref_slice %arg6[%dma_wait3A_195, %dma_wait3A_199] : memref<8x128xi32, #tpu.memory_space<vmem>> -> memref<1x128xi32, #tpu.memory_space<vmem>>
    %dma_wait3A_201 = tpu.memref_squeeze %dma_wait3A_200 : memref<1x128xi32, #tpu.memory_space<vmem>> -> memref<128xi32, #tpu.memory_space<vmem>>
    %dma_wait3A_202 = arith.constant 0 : i32
    %dma_wait3A_203 = arith.constant 0 : i32
    %dma_wait3A_204 = tpu.memref_slice %arg5[%dma_wait3A_202, %dma_wait3A_203] : memref<262144x16xf32, #tpu.memory_space<hbm>> -> memref<262144x16xf32, #tpu.memory_space<hbm>>
    tpu.wait_indirect_dma semaphore(%arg9 : memref<!tpu.dma_semaphore, #tpu.memory_space<semaphore_mem>>) src(%dma_wait3A_198 : memref<128x16xf32, #tpu.memory_space<vmem>>) dst(%dma_wait3A_204 : memref<262144x16xf32, #tpu.memory_space<hbm>>)
    return
  }
}

module attributes {stable_mosaic.version = 14 : i64} {
  func.func @_tc_body(%arg0: i32, %arg1: memref<4096x768xf32, #tpu.memory_space<vmem>>, %arg2: memref<768x8xf32, #tpu.memory_space<vmem>>, %arg3: memref<1x8xf32, #tpu.memory_space<vmem>>, %arg4: memref<768x128xf32, #tpu.memory_space<vmem>>, %arg5: memref<1x128xf32, #tpu.memory_space<vmem>>, %arg6: memref<128x128xf32, #tpu.memory_space<vmem>>, %arg7: memref<1x128xf32, #tpu.memory_space<vmem>>, %arg8: memref<128x16xf32, #tpu.memory_space<vmem>>, %arg9: memref<4096x16xf32, #tpu.memory_space<vmem>>, %arg10: memref<4096x1xi32, #tpu.memory_space<vmem>>) attributes {dimension_semantics = [#tpu.dimension_semantics<arbitrary>], iteration_bounds = array<i64: 8>, scalar_prefetch = 0 : i64, scratch_operands = 0 : i64, tpu.core_type = #tpu.core_type<tc>, window_params = [{transform_indices = @transform_0, window_bounds = array<i64: 4096, 768>}, {pipeline_mode = #tpu.pipeline_mode<synchronous>, transform_indices = @transform_1, window_bounds = array<i64: 768, 8>}, {pipeline_mode = #tpu.pipeline_mode<synchronous>, transform_indices = @transform_2, window_bounds = array<i64: 1, 8>}, {pipeline_mode = #tpu.pipeline_mode<synchronous>, transform_indices = @transform_3, window_bounds = array<i64: 768, 128>}, {pipeline_mode = #tpu.pipeline_mode<synchronous>, transform_indices = @transform_4, window_bounds = array<i64: 1, 128>}, {pipeline_mode = #tpu.pipeline_mode<synchronous>, transform_indices = @transform_5, window_bounds = array<i64: 128, 128>}, {pipeline_mode = #tpu.pipeline_mode<synchronous>, transform_indices = @transform_6, window_bounds = array<i64: 1, 128>}, {pipeline_mode = #tpu.pipeline_mode<synchronous>, transform_indices = @transform_7, window_bounds = array<i64: 128, 16>}, {transform_indices = @transform_8, window_bounds = array<i64: 4096, 16>}, {transform_indices = @transform_9, window_bounds = array<i64: 4096, 1>}]} {
    %get3A = arith.constant 0 : index
    %get3A_0 = arith.constant 0 : index
    %get3A_1 = vector.load %arg1[%get3A, %get3A_0] : memref<4096x768xf32, #tpu.memory_space<vmem>>, vector<4096x768xf32>
    %get3A_2 = arith.constant 0 : index
    %get3A_3 = arith.constant 0 : index
    %get3A_4 = vector.load %arg2[%get3A_2, %get3A_3] : memref<768x8xf32, #tpu.memory_space<vmem>>, vector<768x8xf32>
    %dot_general3A = arith.constant dense<0.000000e+00> : vector<4096x8xf32>
    %dot_general3A_5 = tpu.matmul %get3A_1, %get3A_4, %dot_general3A {dimension_numbers = #tpu.dot_dimension_numbers<[1], [0], [0], [1], [0, 0, 1, 1], [], []>, transpose_lhs_hint = false} : vector<4096x768xf32>, vector<768x8xf32>, vector<4096x8xf32> -> vector<4096x8xf32>
    %get3A_6 = arith.constant 0 : index
    %get3A_7 = arith.constant 0 : index
    %get3A_8 = vector.load %arg3[%get3A_6, %get3A_7] : memref<1x8xf32, #tpu.memory_space<vmem>>, vector<1x8xf32>
    %add3A = vector.broadcast %get3A_8 : vector<1x8xf32> to vector<4096x8xf32>
    %add3A_9 = arith.addf %dot_general3A_5, %add3A : vector<4096x8xf32>
    %argmax3A = tpu.reduce_index %add3A_9 {axis = 1 : i32, kind = #tpu.reduction_kind<arg_max>} : vector<4096x8xf32> -> vector<4096xi32>
    %get3A_10 = arith.constant 0 : index
    %get3A_11 = arith.constant 0 : index
    %get3A_12 = vector.load %arg4[%get3A_10, %get3A_11] : memref<768x128xf32, #tpu.memory_space<vmem>>, vector<768x128xf32>
    %dot_general3A_13 = arith.constant dense<0.000000e+00> : vector<4096x128xf32>
    %dot_general3A_14 = tpu.matmul %get3A_1, %get3A_12, %dot_general3A_13 {dimension_numbers = #tpu.dot_dimension_numbers<[1], [0], [0], [1], [0, 0, 1, 1], [], []>, transpose_lhs_hint = false} : vector<4096x768xf32>, vector<768x128xf32>, vector<4096x128xf32> -> vector<4096x128xf32>
    %get3A_15 = arith.constant 0 : index
    %get3A_16 = arith.constant 0 : index
    %get3A_17 = vector.load %arg5[%get3A_15, %get3A_16] : memref<1x128xf32, #tpu.memory_space<vmem>>, vector<1x128xf32>
    %add3A_18 = vector.broadcast %get3A_17 : vector<1x128xf32> to vector<4096x128xf32>
    %add3A_19 = arith.addf %dot_general3A_14, %add3A_18 : vector<4096x128xf32>
    %get3A_20 = arith.constant 0 : index
    %get3A_21 = arith.constant 0 : index
    %get3A_22 = vector.load %arg6[%get3A_20, %get3A_21] : memref<128x128xf32, #tpu.memory_space<vmem>>, vector<128x128xf32>
    %dot_general3A_23 = arith.constant dense<0.000000e+00> : vector<4096x128xf32>
    %dot_general3A_24 = tpu.matmul %add3A_19, %get3A_22, %dot_general3A_23 {dimension_numbers = #tpu.dot_dimension_numbers<[1], [0], [0], [1], [0, 0, 1, 1], [], []>, transpose_lhs_hint = false} : vector<4096x128xf32>, vector<128x128xf32>, vector<4096x128xf32> -> vector<4096x128xf32>
    %get3A_25 = arith.constant 0 : index
    %get3A_26 = arith.constant 0 : index
    %get3A_27 = vector.load %arg7[%get3A_25, %get3A_26] : memref<1x128xf32, #tpu.memory_space<vmem>>, vector<1x128xf32>
    %add3A_28 = vector.broadcast %get3A_27 : vector<1x128xf32> to vector<4096x128xf32>
    %add3A_29 = arith.addf %dot_general3A_24, %add3A_28 : vector<4096x128xf32>
    %iota3A = tpu.iota {dimensions = array<i32: 1>} : vector<4096x128xi32>
    %jit3A = arith.constant 16 : i32
    %div3A = vector.broadcast %jit3A : i32 to vector<4096x128xi32>
    %div3A_30 = arith.divsi %iota3A, %div3A : vector<4096x128xi32>
    %sign3A = arith.constant 0 : i32
    %sign3A_31 = vector.broadcast %sign3A : i32 to vector<4096x128xi32>
    %sign3A_32 = arith.cmpi sgt, %iota3A, %sign3A_31 : vector<4096x128xi32>
    %sign3A_33 = arith.extui %sign3A_32 : vector<4096x128xi1> to vector<4096x128xi32>
    %sign3A_34 = arith.constant 0 : i32
    %sign3A_35 = vector.broadcast %sign3A_34 : i32 to vector<4096x128xi32>
    %sign3A_36 = arith.cmpi slt, %iota3A, %sign3A_35 : vector<4096x128xi32>
    %sign3A_37 = arith.extui %sign3A_36 : vector<4096x128xi1> to vector<4096x128xi32>
    %sign3A_38 = arith.subi %sign3A_33, %sign3A_37 : vector<4096x128xi32>
    %sign3A_39 = arith.constant 0 : i32
    %sign3A_40 = arith.cmpi sgt, %jit3A, %sign3A_39 : i32
    %sign3A_41 = arith.extui %sign3A_40 : i1 to i32
    %sign3A_42 = arith.constant 0 : i32
    %sign3A_43 = arith.cmpi slt, %jit3A, %sign3A_42 : i32
    %sign3A_44 = arith.extui %sign3A_43 : i1 to i32
    %sign3A_45 = arith.subi %sign3A_41, %sign3A_44 : i32
    %ne3A = vector.broadcast %sign3A_45 : i32 to vector<4096x128xi32>
    %ne3A_46 = arith.cmpi ne, %sign3A_38, %ne3A : vector<4096x128xi32>
    %rem3A = vector.broadcast %jit3A : i32 to vector<4096x128xi32>
    %rem3A_47 = arith.remsi %iota3A, %rem3A : vector<4096x128xi32>
    %ne3A_48 = arith.constant 0 : i32
    %ne3A_49 = vector.broadcast %ne3A_48 : i32 to vector<4096x128xi32>
    %ne3A_50 = arith.cmpi ne, %rem3A_47, %ne3A_49 : vector<4096x128xi32>
    %and3A = arith.andi %ne3A_46, %ne3A_50 : vector<4096x128xi1>
    %sub3A = arith.constant 1 : i32
    %sub3A_51 = vector.broadcast %sub3A : i32 to vector<4096x128xi32>
    %sub3A_52 = arith.subi %div3A_30, %sub3A_51 : vector<4096x128xi32>
    %select_n3A = arith.select %and3A, %sub3A_52, %div3A_30 : vector<4096x128xi1>, vector<4096x128xi32>
    %broadcast_in_dim3A = vector.shape_cast %argmax3A : vector<4096xi32> to vector<4096x1xi32>
    %eq3A = vector.broadcast %broadcast_in_dim3A : vector<4096x1xi32> to vector<4096x128xi32>
    %eq3A_53 = arith.cmpi eq, %select_n3A, %eq3A : vector<4096x128xi32>
    %jit3A_54 = arith.constant 0.000000e+00 : f32
    %broadcast_in_dim3A_55 = vector.broadcast %jit3A_54 : f32 to vector<4096x128xf32>
    %select_n3A_56 = arith.select %eq3A_53, %add3A_29, %broadcast_in_dim3A_55 : vector<4096x128xi1>, vector<4096x128xf32>
    %get3A_57 = arith.constant 0 : index
    %get3A_58 = arith.constant 0 : index
    %get3A_59 = vector.load %arg8[%get3A_57, %get3A_58] : memref<128x16xf32, #tpu.memory_space<vmem>>, vector<128x16xf32>
    %dot_general3A_60 = arith.constant dense<0.000000e+00> : vector<4096x16xf32>
    %dot_general3A_61 = tpu.matmul %select_n3A_56, %get3A_59, %dot_general3A_60 {dimension_numbers = #tpu.dot_dimension_numbers<[1], [0], [0], [1], [0, 0, 1, 1], [], []>, transpose_lhs_hint = false} : vector<4096x128xf32>, vector<128x16xf32>, vector<4096x16xf32> -> vector<4096x16xf32>
    %swap3A = arith.constant 0 : index
    %swap3A_62 = arith.constant 0 : index
    %swap3A_63 = vector.load %arg9[%swap3A, %swap3A_62] : memref<4096x16xf32, #tpu.memory_space<vmem>>, vector<4096x16xf32>
    tpu.vector_store %arg9[%swap3A, %swap3A_62], %dot_general3A_61 {strides = array<i32>} : memref<4096x16xf32, #tpu.memory_space<vmem>>, vector<4096x16xf32>,
    %mul3A = arith.constant 4096 : i32
    %mul3A_64 = arith.muli %arg0, %mul3A : i32
    %iota3A_65 = tpu.iota {dimensions = array<i32: 0>} : vector<4096x1xi32>
    %add3A_66 = vector.broadcast %mul3A_64 : i32 to vector<4096x1xi32>
    %add3A_67 = arith.addi %add3A_66, %iota3A_65 : vector<4096x1xi32>
    %mul3A_68 = arith.constant 8 : i32
    %mul3A_69 = vector.broadcast %mul3A_68 : i32 to vector<4096x1xi32>
    %mul3A_70 = arith.muli %add3A_67, %mul3A_69 : vector<4096x1xi32>
    %broadcast_in_dim3A_71 = vector.shape_cast %argmax3A : vector<4096xi32> to vector<4096x1xi32>
    %add3A_72 = arith.addi %mul3A_70, %broadcast_in_dim3A_71 : vector<4096x1xi32>
    %swap3A_73 = arith.constant 0 : index
    %swap3A_74 = arith.constant 0 : index
    %swap3A_75 = vector.load %arg10[%swap3A_73, %swap3A_74] : memref<4096x1xi32, #tpu.memory_space<vmem>>, vector<4096x1xi32>
    tpu.vector_store %arg10[%swap3A_73, %swap3A_74], %add3A_72 {strides = array<i32>} : memref<4096x1xi32, #tpu.memory_space<vmem>>, vector<4096x1xi32>,
    return
  }
  func.func @transform_0(%arg0: i32) -> (i32, i32) {
    %c0_i32 = arith.constant 0 : i32
    %c0_i32_0 = arith.constant 0 : i32
    return %arg0, %c0_i32 : i32, i32
  }
  func.func @transform_1(%arg0: i32) -> (i32, i32) {
    %c0_i32 = arith.constant 0 : i32
    %c0_i32_0 = arith.constant 0 : i32
    %c0_i32_1 = arith.constant 0 : i32
    return %c0_i32, %c0_i32_0 : i32, i32
  }
  func.func @transform_2(%arg0: i32) -> (i32, i32) {
    %c0_i32 = arith.constant 0 : i32
    %c0_i32_0 = arith.constant 0 : i32
    %c0_i32_1 = arith.constant 0 : i32
    return %c0_i32, %c0_i32_0 : i32, i32
  }
  func.func @transform_3(%arg0: i32) -> (i32, i32) {
    %c0_i32 = arith.constant 0 : i32
    %c0_i32_0 = arith.constant 0 : i32
    %c0_i32_1 = arith.constant 0 : i32
    return %c0_i32, %c0_i32_0 : i32, i32
  }
  func.func @transform_4(%arg0: i32) -> (i32, i32) {
    %c0_i32 = arith.constant 0 : i32
    %c0_i32_0 = arith.constant 0 : i32
    %c0_i32_1 = arith.constant 0 : i32
    return %c0_i32, %c0_i32_0 : i32, i32
  }
  func.func @transform_5(%arg0: i32) -> (i32, i32) {
    %c0_i32 = arith.constant 0 : i32
    %c0_i32_0 = arith.constant 0 : i32
    %c0_i32_1 = arith.constant 0 : i32
    return %c0_i32, %c0_i32_0 : i32, i32
  }
  func.func @transform_6(%arg0: i32) -> (i32, i32) {
    %c0_i32 = arith.constant 0 : i32
    %c0_i32_0 = arith.constant 0 : i32
    %c0_i32_1 = arith.constant 0 : i32
    return %c0_i32, %c0_i32_0 : i32, i32
  }
  func.func @transform_7(%arg0: i32) -> (i32, i32) {
    %c0_i32 = arith.constant 0 : i32
    %c0_i32_0 = arith.constant 0 : i32
    %c0_i32_1 = arith.constant 0 : i32
    return %c0_i32, %c0_i32_0 : i32, i32
  }
  func.func @transform_8(%arg0: i32) -> (i32, i32) {
    %c0_i32 = arith.constant 0 : i32
    %c0_i32_0 = arith.constant 0 : i32
    return %arg0, %c0_i32 : i32, i32
  }
  func.func @transform_9(%arg0: i32) -> (i32, i32) {
    %c0_i32 = arith.constant 0 : i32
    %c0_i32_0 = arith.constant 0 : i32
    return %arg0, %c0_i32 : i32, i32
  }
}

</mosaic_0001>

<sc_bundles>
// kernel: kernel.4.cloned.1.call-start
scs
__scs_entry_jumppad:
0x0: {  	(pc) =	sbr.rel $0x88, $3  }
0x1: {  	(tag) =	ssettag $0x0;
	lr =	simm.s32 $0x1  }
0x2: {  	[smem:$0x3F9A] =	sst lr;
	_ =	strace $0xD0000000  }
0x3: {  	_ = 	snop  }
0x4: {  	_ = 	snop  }
0x5: {  	_ = 	snop  }
0x6: {  	_ = 	snop  }
0x7: {  	_ = 	snop  }
__scs_overlays_trampoline_lowered:
0x8: {  	[smem:$0x3FA9] =	sst s0  }
0x9: {  	[smem:$0x3FAA] =	sst s1  }
0xa: {  	[smem:$0x3FAB] =	sst s2  }
0xb: {  	[smem:$0x3FAC] =	sst s3  }
0xc: {  	[smem:$0x3FAD] =	sst s4  }
0xd: {  	[smem:$0x3FAE] =	sst s5  }
0xe: {  	[smem:$0x3FAF] =	sst s6  }
0xf: {  	[smem:$0x3FB0] =	sst s7  }
0x10: {  	[smem:$0x3FB1] =	sst s8  }
0x11: {  	[smem:$0x3FB2] =	sst s9;
	s0 =	simm.s32 @!p0 $0x0  }
0x12: {  	s1 =	sld [smem:$0x3F98];
	s0 =	simm.s32 @p0 $0x1  }
0x13: {  	[smem:$0x3FB3] =	sst s0;
	s0 =	simm.s32 @!p1 $0x0  }
0x14: {  	s2 =	sld [smem:$0x3F97];
	s0 =	simm.s32 @p1 $0x1  }
0x15: {  	[smem:$0x3FB4] =	sst s0;
	s0 =	simm.s32 @!p2 $0x0  }
0x16: {  	s3 =	sld [smem:$0x3FDB];
	s0 =	simm.s32 @p2 $0x1  }
0x17: {  	s4 =	simm.s32 $0x1BF5;
	[smem:$0x3FB6] =	sst s0  }
0x18: {  	s0 =	sld [smem:$0x3F99];
	_ =	swait.ge [sflag:s4], $0x0  }
0x19: {  	s7 =	sld [smem:$0x3F9A]  }
0x1a: {  	s8 =	sadd.s32 $0xFFFFE003, lr  }
0x1b: {  	s9 =	sadd.s32 $0xFFFFFEF7, lr;
	s5 =	simm.s32 $0xFFFFFFFF;
	p2 =	slt.u32 s8, $0xFFFFF086  }
0x1c: {  	p1 =	slt.u32 s9, $0xF7A;
	s5 =	simm.s32 @!p2 $0x0  }
0x1d: {  	s5 =	simm.s32 @p1 $0x1;
	p0 =	seq.s32 s7, s2  }
0x1e: {  	s7 =	smul.u32 @!p0 $0xF7A, s2;
	p2 =	seq.s32 @!p0 s5, $0x0  }
0x1f: {  	s9 =	smul.u32 $0xF7A, s1;
	s8 =	simm.s32 @!p0 $0x1BF5;
	p2 =	por !p2, p0  }
0x20: {  	[sflag:s8] =	ssyncset.s32 @!p0 $0xFFFFF086;
	s6 =	sadd.s32 @!p0 s3, s7;
	s7 =	simm.s32 @!p0 $0x108  }
0x21: {  	s3 =	sadd.s32 s3, s9;
	s6 =	sadd.s32 @!p0 $0x88, s6;
	s7 =	simm.s32 @p2 $0x1082  }
0x22: {  	[simem:s7], [sflag:s8] =	dma.local @!p0 [hbm:s6], $0xF7A  }
0x23: {  	s9 =	sor.u32 $0xD0000000, s2;
	s6 =	simm.s32 $0x108;
	_ =	swait.ge @!p0 [sflag:s8], $0x0  }
0x24: {  	s3 =	sadd.s32 $0x88, s3;
	s6 =	simm.s32 @!p1 $0x1082;
	[sflag:s4] =	ssyncset.s32 $0xFFFFF086  }
0x25: {  	[simem:s6], [sflag:s4] =	dma.local [hbm:s3], $0xF7A  }
0x26: {  	[smem:$0x3F9A] =	sst s1;
	(tag) =	ssettag s2;
	_ =	strace s9  }
0x27: {  	s1 =	sld [smem:$0x3FAA]  }
0x28: {  	s2 =	sld [smem:$0x3FAB]  }
0x29: {  	s4 =	sld [smem:$0x3FAD]  }
0x2a: {  	p0 =	seq.s32 s5, $0x0;
	s5 =	sld [smem:$0x3FAE]  }
0x2b: {  	s6 =	sld [smem:$0x3FAF]  }
0x2c: {  	s7 =	sld [smem:$0x3FB0]  }
0x2d: {  	s3 =	simm.s32 $0x108;
	s8 =	sld [smem:$0x3FB1]  }
0x2e: {  	s3 =	simm.s32 @!p0 $0x1082;
	s9 =	sld [smem:$0x3FB2]  }
0x2f: {  	lr =	sadd.s32 s0, s3;
	s0 =	sld [smem:$0x3FA9]  }
0x30: {  	s3 =	sld [smem:$0x3FAC]  }
0x31: {  	[smem:$0x3FB5] =	sst s10  }
0x32: {  	s10 =	sld [smem:$0x3FB3];
	_ =	sdelay $0x3  }
0x33: {  	p0 =	seq.s32 s10, $0x1;
	s10 =	sld [smem:$0x3FB5];
	_ =	sdelay $0x3  }
0x34: {  	[smem:$0x3FB5] =	sst s10  }
0x35: {  	s10 =	sld [smem:$0x3FB4];
	_ =	sdelay $0x3  }
0x36: {  	p1 =	seq.s32 s10, $0x1;
	s10 =	sld [smem:$0x3FB5];
	_ =	sdelay $0x3  }
0x37: {  	[smem:$0x3FB5] =	sst s10  }
0x38: {  	s10 =	sld [smem:$0x3FB6]  }
0x39: {  	_ = 	snop;
	(pc) =	sbr.ind lr, $3  }
0x3a: {  	_ = 	snop  }
0x3b: {  	_ = 	snop  }
0x3c: {  	p2 =	seq.s32 s10, $0x1;
	s10 =	sld [smem:$0x3FB5]  }
0x3d: {  	_ =	shalt  }
0x3e: {  	_ =	shalt  }
0x3f: {  	_ =	shalt  }
0x40: {  	_ =	shalt  }
0x41: {  	_ =	shalt  }
0x42: {  	_ =	shalt  }
0x43: {  	_ =	shalt  }
0x44: {  	_ =	shalt  }
0x45: {  	_ =	shalt  }
0x46: {  	_ =	shalt  }
0x47: {  	_ =	shalt  }
0x48: {  	_ =	shalt  }
0x49: {  	_ =	shalt  }
0x4a: {  	_ =	shalt  }
0x4b: {  	_ =	shalt  }
0x4c: {  	_ =	shalt  }
0x4d: {  	_ =	shalt  }
0x4e: {  	_ =	shalt  }
0x4f: {  	_ =	shalt  }
0x50: {  	_ =	shalt  }
0x51: {  	_ =	shalt  }
0x52: {  	_ =	shalt  }
0x53: {  	_ =	shalt  }
0x54: {  	_ =	shalt  }
0x55: {  	_ =	shalt  }
0x56: {  	_ =	shalt  }
0x57: {  	_ =	shalt  }
0x58: {  	_ =	shalt  }
0x59: {  	_ =	shalt  }
0x5a: {  	_ =	shalt  }
0x5b: {  	_ =	shalt  }
0x5c: {  	_ =	shalt  }
0x5d: {  	_ =	shalt  }
0x5e: {  	_ =	shalt  }
0x5f: {  	_ =	shalt  }
0x60: {  	_ =	shalt  }
0x61: {  	_ =	shalt  }
0x62: {  	_ =	shalt  }
0x63: {  	_ =	shalt  }
0x64: {  	_ =	shalt  }
0x65: {  	_ =	shalt  }
0x66: {  	_ =	shalt  }
0x67: {  	_ =	shalt  }
0x68: {  	_ =	shalt  }
0x69: {  	_ =	shalt  }
0x6a: {  	_ =	shalt  }
0x6b: {  	_ =	shalt  }
0x6c: {  	_ =	shalt  }
0x6d: {  	_ =	shalt  }
0x6e: {  	_ =	shalt  }
0x6f: {  	_ =	shalt  }
0x70: {  	_ =	shalt  }
0x71: {  	_ =	shalt  }
0x72: {  	_ =	shalt  }
0x73: {  	_ =	shalt  }
0x74: {  	_ =	shalt  }
0x75: {  	_ =	shalt  }
0x76: {  	_ =	shalt  }
0x77: {  	_ =	shalt  }
0x78: {  	_ =	shalt  }
0x79: {  	_ =	shalt  }
0x7a: {  	_ =	shalt  }
0x7b: {  	_ =	shalt  }
0x7c: {  	_ =	shalt  }
0x7d: {  	_ =	shalt  }
0x7e: {  	_ =	shalt  }
0x7f: {  	_ =	shalt  }
0x80: {  	_ =	shalt  }
0x81: {  	_ =	shalt  }
0x82: {  	_ =	shalt  }
0x83: {  	_ =	shalt  }
0x84: {  	_ =	shalt  }
0x85: {  	_ =	shalt  }
0x86: {  	_ =	shalt  }
0x87: {  	_ =	shalt  }
.Lfunc_end0:
.L_simem_size_0:
called_computation_lowered:
.L_overlay_start_0:
0x88: {  	s2 =	sld [smem:$0x3FD9]  }
0x89: {  	s3 =	sld [smem:$0x3FFE];
	_ =	sdelay $0x1  }
0x8a: {  	s1 =	srdreg.scid  }
0x8b: {  	s0 =	sand.u32 $0x1, s1  }
0x8c: {  	s17 =	sshll.u32 s0, $0xA;
	s2 =	sadd.s32 s3, s2  }
0x8d: {  	s2 =	sadd.s32 s2, s17  }
0x8e: {  	[smem:$0x3FC1] =	sst s2  }
0x8f: {  	_ = 	snop  }
0x90: {  	s2 =	sld [smem:$0x3FD0];
	(tm) =	ssettm $0x1  }
0x91: {  	s18 =	sld [smem:$0x3FFB];
	_ =	sdelay $0x3  }
0x92: {  	_ =	strace s18  }
0x93: {  	s3 =	sld [smem:$0x3FFC];
	_ =	sdelay $0x3  }
0x94: {  	_ =	strace s3  }
0x95: {  	s3 =	sld [smem:$0x3FFD];
	_ =	sdelay $0x3  }
0x96: {  	_ =	strace s3  }
0x97: {  	_ =	strace $0x8FFFFFFF  }
0x98: {  	s19 =	sld [smem:$0x3FDB];
	_ =	sdelay $0x1  }
0x99: {  	s4 =	simm.s32 $_scs_section_size  }
0x9a: {  	s5 =	simm.s32 $_size__tile_overlayer_lowered;
	s6 =	simm.s32 $_tile_overlayer_lowered  }
0x9b: {  	s22 =	simm.s32 $0x1BFF;
	s21 =	sshll.u32 s6, $0x1;
	s3 =	sadd.s32 s4, s19  }
0x9c: {  	s7 =	simm.s32 $0x0;
	s20 =	sshll.u32 s5, $0x1;
	s5 =	sadd.s32 s21, s3  }
0x9d: {  	[timem:s7], [sflag:s22] =	dma.local [hbm:s5], s20  }
0x9e: {  	_ =	swait.ge [sflag:s22], s20  }
0x9f: {  	s4 =	ssub.s32 $0x0, s20;
	[sflag:s22] =	ssyncset.done $0x0  }
0xa0: {  	[sflag:s22] =	ssyncadd.s32 s4;
	_ =	sdelay $0x1  }
0xa1: {  	s23 =	simm.s32 $0x1B8B  }
0xa2: {  	_ =	swait.ge [sflag:s23], $0x1  }
0xa3: {  	[sflag:s23] =	ssyncset.done $0x0  }
0xa4: {  	s25 =	simm.s32 $0x1B8E;
	s24 =	sld [smem:$0x3FFE];
	[sflag:s23] =	ssyncadd.s32 $0xFFFFFFFF  }
0xa5: {  	s26 =	simm.s32 $execute0_lowered;
	[smem:$0x3FD2] =	sst s25  }
0xa6: {  	s5 =	sshll.u32 s26, $0x1;
	_ =	strace $0x80000046;
	[dreg:$0x1] =	wrdreg $0xFFFFFFFF  }
0xa7: {  	s28 =	simm.s32 $_size_execute0_lowered;
	s3 =	sadd.s32 s3, s5;
	[dreg:$0x0] =	wrdreg $0x0  }
0xa8: {  	s5 =	sshll.u32 s28, $0x1;
	[dreg:$0x2] =	wrdreg s3  }
0xa9: {  	[dreg:$0x3] =	wrdreg s5  }
0xaa: {  	[dreg:$0x4] =	wrdreg $0xC0  }
0xab: {  	_ =	task [dreg:s7], $0x5FFFF  }
0xac: {  	[dreg:$0x1] =	wrdreg $0xFFFFFFFF  }
0xad: {  	[dreg:$0x0] =	wrdreg $0x60  }
0xae: {  	[dreg:$0x2] =	wrdreg s24  }
0xaf: {  	[dreg:$0x3] =	wrdreg s2  }
0xb0: {  	[dreg:$0x4] =	wrdreg $0x9  }
0xb1: {  	_ =	task.clear_ibuf [dreg:s7], $0x5FFFF;
	_ =	strace $0x90000046  }
0xb2: {  	s29 =	simm.s32 $0x9;
	_ =	strace $0x80000048  }
0xb3: {  	_ =	swait.ge [sflag:s29], $0x1  }
0xb4: {  	[sflag:s29] =	ssyncadd.s32 $0xFFFFFFFF  }
0xb5: {  	_ =	strace $0x90000048  }
0xb6: {  	_ =	sfence  }
0xb7: {  	s30 =	sld [smem:$0x0];
	_ =	sdelay $0x2  }
0xb8: {  	s31 =	sshll.u32 s1, $0xD;
	s1 =	sshrl.u32 s1, $0x2  }
0xb9: {  	s3 =	sand.u32 $0x4000, s31;
	s1 =	sadd.s32 s1, s30  }
0xba: {  	s0 =	sor.u32 s3, s0;
	s1 =	sshll.u32 s1, $0x11  }
0xbb: {  	s0 =	sor.u32 s1, s0  }
0xbc: {  	s0 =	sadd.s32 $0x8F2B, s0  }
0xbd: {  	[sflag:s0] =	ssyncadd.remote.s32 $0x1  }
0xbe: {  	_ =	sfence.sel $0xFFFF  }
0xbf: {  	[dreg:$0x0] =	wrdreg $0xFFFFFFFF;
	(pc) =	sbr.abs _section_cstart, $3  }
0xc0: {  	[dreg:$0x1] =	wrdreg $0xFFFFFFFF  }
0xc1: {  	_ =	task.clear_ibuf [dreg:s7], $0x2FFFF;
	_ =	strace $0x9FFFFFFF  }
0xc2: {  	(tm) =	ssettm $0x7FFFFFFF  }
0xc3: {  	_ =	shalt  }
tec
execute0_lowered:
.L_overlay_start_1:
0x0: {  	(tag) =	ssettag $0x1  }
0x1: {  	s1 =	srdreg.scid;
	s0 =	stileid.u32  }
0x2: {  	s30 =	sand.u32 $0x1, s1;
	s31 =	sshll.u32 s0, $0x1  }
0x3: {  	s8 =	rddreg [dreg:$0x0];
	s10 =	sor.u32 s30, s31  }
0x4: {  	s2 =	rddreg [dreg:$0x1];
	s3 =	simm.s32 $0x0;
	s4 =	sshll.u32 s10, $0x7  }
0x5: {  	s5 =	simm.s32 $0x2;
	[smem:$0x7FF] =	sst s3;
	s4 =	sadd.s32 s4, s8  }
0x6: {  	s1 =	rddreg [dreg:$0x2];
	_ =	strace $0x80000047;
	s4 =	sadd.s32 $0x10800, s4  }
0x7: {  	[tilespmem:s3], [sflag:$0x2] =	stream.linear.gather [hbm4b:s4+s3], $0x400, $0x38;
	[tilespmem:$0xC400] =	vst v63  }
0x8: {  	s6 =	sshll.u32 s10, $0xB;
	_ =	swait.ge [sflag:s5], $0x400  }
0x9: {  	s6 =	sadd.s32 s6, s8;
	[sflag:s5] =	ssyncset.done $0x0  }
0xa: {  	s7 =	simm.s32 $0x400;
	s6 =	sadd.s32 $0x800, s6;
	[sflag:s5] =	ssyncadd.s32 $0xFFFFFC00  }
0xb: {  	[tilespmem:s7], [sflag:$0x2] =	stream.linear.gather [hbm4b:s6+s3], $0x4000, $0x38;
	[tilespmem:$0xC400] =	vst v63  }
0xc: {  	_ =	swait.ge [sflag:s5], $0x4000  }
0xd: {  	[sflag:s5] =	ssyncset.done $0x0  }
0xe: {  	s9 =	simm.s32 $0x4400;
	s8 =	sadd.s32 $0x11800, s8;
	[sflag:s5] =	ssyncadd.s32 $0xFFFFC000  }
0xf: {  	[tilespmem:s9], [sflag:$0x2] =	stream.linear.gather [hbm4b:s8+s3], $0x8000, $0x38;
	[tilespmem:$0xC400] =	vst v63  }
0x10: {  	_ =	swait.ge [sflag:s5], $0x8000  }
0x11: {  	s10 =	sshll.u32 s10, $0xE;
	[sflag:s5] =	ssyncset.done $0x0  }
0x12: {  	s10 =	sadd.s32 s2, s10;
	[sflag:s5] =	ssyncadd.s32 $0xFFFF8000  }
0x13: {  	[hbm4b:s10+s3] =	stream.linear.scatter [tilespmem:s9], [sflag:$0x1], $0x8000, $0x38;
	[tilespmem:$0xC400] =	vst v63  }
0x14: {  	s11 =	sadd.s32 $0x1000, s10  }
0x15: {  	[hbm4b:s11+s3] =	stream.linear.scatter [tilespmem:s9], [sflag:$0x1], $0x8000, $0x38;
	[tilespmem:$0xC400] =	vst v63  }
0x16: {  	s12 =	sadd.s32 $0x2000, s10  }
0x17: {  	[hbm4b:s12+s3] =	stream.linear.scatter [tilespmem:s9], [sflag:$0x1], $0x8000, $0x38;
	[tilespmem:$0xC400] =	vst v63  }
0x18: {  	s13 =	simm.s32 $0x1;
	s14 =	sadd.s32 $0x3000, s10  }
0x19: {  	[hbm4b:s14+s3] =	stream.linear.scatter [tilespmem:s9], [sflag:$0x1], $0x8000, $0x38;
	[tilespmem:$0xC400] =	vst v63  }
0x1a: {  	_ =	swait.ge [sflag:s13], $0x8000  }
0x1b: {  	[sflag:s13] =	ssyncset.done $0x0  }
0x1c: {  	[sflag:s13] =	ssyncadd.s32 $0xFFFF8000  }
0x1d: {  	_ =	swait.ge [sflag:s13], $0x8000  }
0x1e: {  	[sflag:s13] =	ssyncset.done $0x0  }
0x1f: {  	[sflag:s13] =	ssyncadd.s32 $0xFFFF8000  }
0x20: {  	_ =	swait.ge [sflag:s13], $0x8000  }
0x21: {  	[sflag:s13] =	ssyncset.done $0x0  }
0x22: {  	[sflag:s13] =	ssyncadd.s32 $0xFFFF8000  }
0x23: {  	_ =	swait.ge [sflag:s13], $0x8000  }
0x24: {  	[sflag:s13] =	ssyncset.done $0x0  }
0x25: {  	s15 =	simm.s32 $0x80;
	[sflag:s13] =	ssyncadd.s32 $0xFFFF8000  }
0x26: {  	[hbm4b:s2+s15] =	stream.indirect.scatter [tilespmem:s7], [sflag:$0x1], $0x10, s3, s15, $0xb8;
	[tilespmem:$0xC400] =	vst v63  }
0x27: {  	s16 =	simm.s32 $0xC00  }
0x28: {  	[hbm4b:s2+s15] =	stream.indirect.scatter [tilespmem:s16], [sflag:$0x1], $0x10, s15, s15, $0xb8;
	[tilespmem:$0xC400] =	vst v63  }
0x29: {  	s17 =	simm.s32 $0x100;
	s18 =	simm.s32 $0x1400  }
0x2a: {  	[hbm4b:s2+s15] =	stream.indirect.scatter [tilespmem:s18], [sflag:$0x1], $0x10, s17, s15, $0xb8;
	[tilespmem:$0xC400] =	vst v63  }
0x2b: {  	s19 =	simm.s32 $0x180;
	s20 =	simm.s32 $0x1C00  }
0x2c: {  	[hbm4b:s2+s15] =	stream.indirect.scatter [tilespmem:s20], [sflag:$0x1], $0x10, s19, s15, $0xb8;
	[tilespmem:$0xC400] =	vst v63  }
0x2d: {  	s21 =	simm.s32 $0x200;
	s22 =	simm.s32 $0x2400  }
0x2e: {  	[hbm4b:s2+s15] =	stream.indirect.scatter [tilespmem:s22], [sflag:$0x1], $0x10, s21, s15, $0xb8;
	[tilespmem:$0xC400] =	vst v63  }
0x2f: {  	s23 =	simm.s32 $0x280;
	s24 =	simm.s32 $0x2C00  }
0x30: {  	[hbm4b:s2+s15] =	stream.indirect.scatter [tilespmem:s24], [sflag:$0x1], $0x10, s23, s15, $0xb8;
	[tilespmem:$0xC400] =	vst v63  }
0x31: {  	s25 =	simm.s32 $0x300;
	s26 =	simm.s32 $0x3400  }
0x32: {  	[hbm4b:s2+s15] =	stream.indirect.scatter [tilespmem:s26], [sflag:$0x1], $0x10, s25, s15, $0xb8;
	[tilespmem:$0xC400] =	vst v63  }
0x33: {  	s28 =	simm.s32 $0x380;
	s29 =	simm.s32 $0x3C00  }
0x34: {  	[hbm4b:s2+s15] =	stream.indirect.scatter [tilespmem:s29], [sflag:$0x1], $0x10, s28, s15, $0xb8;
	[tilespmem:$0xC400] =	vst v63  }
0x35: {  	_ =	swait.ge [sflag:s13], $0x800  }
0x36: {  	[sflag:s13] =	ssyncset.done $0x0  }
0x37: {  	[sflag:s13] =	ssyncadd.s32 $0xFFFFF800  }
0x38: {  	_ =	swait.ge [sflag:s13], $0x800  }
0x39: {  	[sflag:s13] =	ssyncset.done $0x0  }
0x3a: {  	[sflag:s13] =	ssyncadd.s32 $0xFFFFF800  }
0x3b: {  	_ =	swait.ge [sflag:s13], $0x800  }
0x3c: {  	[sflag:s13] =	ssyncset.done $0x0  }
0x3d: {  	[sflag:s13] =	ssyncadd.s32 $0xFFFFF800  }
0x3e: {  	_ =	swait.ge [sflag:s13], $0x800  }
0x3f: {  	[sflag:s13] =	ssyncset.done $0x0  }
0x40: {  	[sflag:s13] =	ssyncadd.s32 $0xFFFFF800  }
0x41: {  	_ =	swait.ge [sflag:s13], $0x800  }
0x42: {  	s30 =	ssub.s32 $0x2, s30;
	[sflag:s13] =	ssyncset.done $0x0  }
0x43: {  	s31 =	sshrl.u32 s30, $0x1;
	[sflag:s13] =	ssyncadd.s32 $0xFFFFF800  }
0x44: {  	s30 =	ssub.s32 s30, s31;
	_ =	swait.ge [sflag:s13], $0x800  }
0x45: {  	s30 =	smax.u32 s30, $0x1;
	[sflag:s13] =	ssyncset.done $0x0  }
0x46: {  	p0 =	sne.s32 s30, $0x1;
	[sflag:s13] =	ssyncadd.s32 $0xFFFFF800  }
.Ltmp0:
0x47: {  	_ =	swait.ge [sflag:s13], $0x800;
	(pc) =	sbr.rel @!p0 .LBB2_2-.Ltmp0, $4  }
0x48: {  	[sflag:s13] =	ssyncset.done $0x0  }
0x49: {  	[sflag:s13] =	ssyncadd.s32 $0xFFFFF800  }
0x4a: {  	_ =	swait.ge [sflag:s13], $0x800  }
0x4b: {  	s30 =	sadd.s32 $0xFFFFFFFF, s30;
	[sflag:s13] =	ssyncset.done $0x0  }
.LBB2_1:
0x4c: {  	p0 =	sne.s32 s30, $0x1;
	s30 =	sadd.s32 $0xFFFFFFFF, s30;
	[sflag:s13] =	ssyncadd.s32 $0xFFFFF800  }
0x4d: {  	[tilespmem:s3], [sflag:$0x2] =	stream.linear.gather [hbm4b:s4+s3], $0x400, $0x38;
	[tilespmem:$0xC400] =	vst v63  }
0x4e: {  	_ =	swait.ge [sflag:s5], $0x400  }
0x4f: {  	[sflag:s5] =	ssyncset.done $0x0  }
0x50: {  	[sflag:s5] =	ssyncadd.s32 $0xFFFFFC00  }
0x51: {  	[tilespmem:s7], [sflag:$0x2] =	stream.linear.gather [hbm4b:s6+s3], $0x4000, $0x38;
	[tilespmem:$0xC400] =	vst v63  }
0x52: {  	_ =	swait.ge [sflag:s5], $0x4000  }
0x53: {  	[sflag:s5] =	ssyncset.done $0x0  }
0x54: {  	[sflag:s5] =	ssyncadd.s32 $0xFFFFC000  }
0x55: {  	[tilespmem:s9], [sflag:$0x2] =	stream.linear.gather [hbm4b:s8+s3], $0x8000, $0x38;
	[tilespmem:$0xC400] =	vst v63  }
0x56: {  	_ =	swait.ge [sflag:s5], $0x8000  }
0x57: {  	[sflag:s5] =	ssyncset.done $0x0  }
0x58: {  	[sflag:s5] =	ssyncadd.s32 $0xFFFF8000  }
0x59: {  	[hbm4b:s10+s3] =	stream.linear.scatter [tilespmem:s9], [sflag:$0x1], $0x8000, $0x38;
	[tilespmem:$0xC400] =	vst v63  }
0x5a: {  	_ = 	snop  }
0x5b: {  	[hbm4b:s11+s3] =	stream.linear.scatter [tilespmem:s9], [sflag:$0x1], $0x8000, $0x38;
	[tilespmem:$0xC400] =	vst v63  }
0x5c: {  	_ = 	snop  }
0x5d: {  	[hbm4b:s12+s3] =	stream.linear.scatter [tilespmem:s9], [sflag:$0x1], $0x8000, $0x38;
	[tilespmem:$0xC400] =	vst v63  }
0x5e: {  	_ = 	snop  }
0x5f: {  	[hbm4b:s14+s3] =	stream.linear.scatter [tilespmem:s9], [sflag:$0x1], $0x8000, $0x38;
	[tilespmem:$0xC400] =	vst v63  }
0x60: {  	_ =	swait.ge [sflag:s13], $0x8000  }
0x61: {  	[sflag:s13] =	ssyncset.done $0x0  }
0x62: {  	[sflag:s13] =	ssyncadd.s32 $0xFFFF8000  }
0x63: {  	_ =	swait.ge [sflag:s13], $0x8000  }
0x64: {  	[sflag:s13] =	ssyncset.done $0x0  }
0x65: {  	[sflag:s13] =	ssyncadd.s32 $0xFFFF8000  }
0x66: {  	_ =	swait.ge [sflag:s13], $0x8000  }
0x67: {  	[sflag:s13] =	ssyncset.done $0x0  }
0x68: {  	[sflag:s13] =	ssyncadd.s32 $0xFFFF8000  }
0x69: {  	_ =	swait.ge [sflag:s13], $0x8000  }
0x6a: {  	[sflag:s13] =	ssyncset.done $0x0  }
0x6b: {  	[sflag:s13] =	ssyncadd.s32 $0xFFFF8000  }
0x6c: {  	[hbm4b:s2+s15] =	stream.indirect.scatter [tilespmem:s7], [sflag:$0x1], $0x10, s3, s15, $0xb8;
	[tilespmem:$0xC400] =	vst v63  }
0x6d: {  	_ = 	snop  }
0x6e: {  	[hbm4b:s2+s15] =	stream.indirect.scatter [tilespmem:s16], [sflag:$0x1], $0x10, s15, s15, $0xb8;
	[tilespmem:$0xC400] =	vst v63  }
0x6f: {  	_ = 	snop  }
0x70: {  	[hbm4b:s2+s15] =	stream.indirect.scatter [tilespmem:s18], [sflag:$0x1], $0x10, s17, s15, $0xb8;
	[tilespmem:$0xC400] =	vst v63  }
0x71: {  	_ = 	snop  }
0x72: {  	[hbm4b:s2+s15] =	stream.indirect.scatter [tilespmem:s20], [sflag:$0x1], $0x10, s19, s15, $0xb8;
	[tilespmem:$0xC400] =	vst v63  }
0x73: {  	_ = 	snop  }
0x74: {  	[hbm4b:s2+s15] =	stream.indirect.scatter [tilespmem:s22], [sflag:$0x1], $0x10, s21, s15, $0xb8;
	[tilespmem:$0xC400] =	vst v63  }
0x75: {  	_ = 	snop  }
0x76: {  	[hbm4b:s2+s15] =	stream.indirect.scatter [tilespmem:s24], [sflag:$0x1], $0x10, s23, s15, $0xb8;
	[tilespmem:$0xC400] =	vst v63  }
0x77: {  	_ = 	snop  }
0x78: {  	[hbm4b:s2+s15] =	stream.indirect.scatter [tilespmem:s26], [sflag:$0x1], $0x10, s25, s15, $0xb8;
	[tilespmem:$0xC400] =	vst v63  }
0x79: {  	_ = 	snop  }
0x7a: {  	[hbm4b:s2+s15] =	stream.indirect.scatter [tilespmem:s29], [sflag:$0x1], $0x10, s28, s15, $0xb8;
	[tilespmem:$0xC400] =	vst v63  }
0x7b: {  	_ =	swait.ge [sflag:s13], $0x800  }
0x7c: {  	[sflag:s13] =	ssyncset.done $0x0  }
0x7d: {  	[sflag:s13] =	ssyncadd.s32 $0xFFFFF800  }
0x7e: {  	_ =	swait.ge [sflag:s13], $0x800  }
0x7f: {  	[sflag:s13] =	ssyncset.done $0x0  }
0x80: {  	[sflag:s13] =	ssyncadd.s32 $0xFFFFF800  }
0x81: {  	_ =	swait.ge [sflag:s13], $0x800  }
0x82: {  	[sflag:s13] =	ssyncset.done $0x0  }
0x83: {  	[sflag:s13] =	ssyncadd.s32 $0xFFFFF800  }
0x84: {  	_ =	swait.ge [sflag:s13], $0x800  }
0x85: {  	[sflag:s13] =	ssyncset.done $0x0  }
0x86: {  	[sflag:s13] =	ssyncadd.s32 $0xFFFFF800  }
0x87: {  	_ =	swait.ge [sflag:s13], $0x800  }
0x88: {  	[sflag:s13] =	ssyncset.done $0x0  }
0x89: {  	[sflag:s13] =	ssyncadd.s32 $0xFFFFF800  }
0x8a: {  	_ =	swait.ge [sflag:s13], $0x800  }
0x8b: {  	[sflag:s13] =	ssyncset.done $0x0  }
0x8c: {  	[sflag:s13] =	ssyncadd.s32 $0xFFFFF800  }
.Ltmp1:
0x8d: {  	_ =	swait.ge [sflag:s13], $0x800;
	(pc) =	sbr.rel @p0 .LBB2_1-.Ltmp1, $4  }
0x8e: {  	[sflag:s13] =	ssyncset.done $0x0  }
0x8f: {  	[sflag:s13] =	ssyncadd.s32 $0xFFFFF800  }
0x90: {  	_ =	swait.ge [sflag:s13], $0x800  }
0x91: {  	[sflag:s13] =	ssyncset.done $0x0  }
.LBB2_2:
0x92: {  	[sflag:s13] =	ssyncadd.s32 $0xFFFFF800  }
0x93: {  	_ =	sfence.sel $0x180000  }
0x94: {  	[bflag:$0x0] =	sbarrier.arrive $0xFFFF  }
0x95: {  	p0 =	sne.s32 s0, $0x0;
	_ =	strace $0x90000047  }
0x96: {  	s0 =	sadd.s32 @!p0 $0x100000, s1;
	[bflag:$0x2] =	sbarrier.arrive $0xFFFF  }
0x97: {  	[sflag:s0] =	ssyncadd.tile.s32 @!p0 $0x1;
	_ =	shalt  }
.Lfunc_end2:
_tile_overlayer_lowered:
.L_overlay_start_2:
0x98: {  	(tag) =	ssettag $0x2  }
0x99: {  	s0 =	rddreg [dreg:$0x0];
	s2 =	stileid.u32  }
0x9a: {  	s1 =	rddreg [dreg:$0x1];
	p0 =	sne.s32 s2, $0x0  }
0x9b: {  	s3 =	rddreg [dreg:$0x2];
	[bflag:$0x3] =	sbarrier.arrive $0xFFFF;
	s2 =	simm.s32 @!p0 $0x1C02  }
0x9c: {  	[timem:s3], [sflag:s2] =	dma.local @!p0 [hbm:s0], s1  }
0x9d: {  	s0 =	simm.s32 @!p0 $0x2  }
0x9e: {  	_ =	swait.ge @!p0 [sflag:s0], s1  }
0x9f: {  	s1 =	ssub.s32 @!p0 $0x0, s1;
	[sflag:s0] =	ssyncset.done @!p0 $0x0  }
0xa0: {  	[sflag:s0] =	ssyncadd.s32 @!p0 s1  }
0xa1: {  	[bflag:$0x3] =	sbarrier.arrive $0xFFFF  }
0xa2: {  	_ =	shalt  }

</sc_bundles>
